<compile_context>
chip_gen: v7x
topology: tpu7x:2x2x1
jax: 0.10.2.dev20260603
libtpu: 0.0.44.dev20260713+nightly
codegen_flags: <defaults>
</compile_context>

<pallas_src>
import functools

import jax
import jax.numpy as jnp
from jax import lax
from jax.experimental import pallas as pl
from jax.experimental.pallas import tpu as pltpu
from jax.experimental.pallas import tpu_sc as plsc

_VOCAB = 1000
_EMB = 8
_NC, _NS = 2, 16
_NW = _NC * _NS
_L = 16


def _make_sc_embed_gather(batch, seq):
    b_per_w = batch // _NW
    mesh = plsc.VectorSubcoreMesh(core_axis_name="c", subcore_axis_name="s",
                                  num_cores=_NC, num_subcores=_NS)

    @functools.partial(
        pl.kernel,
        out_type=jax.ShapeDtypeStruct((seq, _EMB, batch), jnp.float32),
        mesh=mesh,
        compiler_params=pltpu.CompilerParams(use_tc_tiling_on_sc=False,
                                             needs_layout_passes=False),
        scratch_types=[
            pltpu.VMEM((_VOCAB, _EMB), jnp.float32),
            pltpu.VMEM((b_per_w, seq), jnp.int32),
            pltpu.VMEM((seq, _EMB, b_per_w), jnp.float32),
        ],
    )
    def embed_gather(idx_hbm, e_hbm, xt_hbm, e_t, idx_t, xt_t):
        wid = lax.axis_index("s") * _NC + lax.axis_index("c")
        b0 = wid * b_per_w
        pltpu.sync_copy(e_hbm, e_t)
        pltpu.sync_copy(idx_hbm.at[pl.ds(b0, b_per_w)], idx_t)

        lanes = lax.iota(jnp.int32, _L)

        def s_body(s, carry):
            s_vec = jnp.full((_L,), 0, jnp.int32) + s
            for g in range(b_per_w // _L):
                b_vec = lanes + (g * _L)
                row = plsc.load_gather(idx_t, [b_vec, s_vec])
                for d in range(_EMB):
                    d_vec = jnp.full((_L,), d, jnp.int32)
                    vals = plsc.load_gather(e_t, [row, d_vec])
                    xt_t[s, d, pl.ds(g * _L, _L)] = vals
            return carry

        lax.fori_loop(0, seq, s_body, 0)
        pltpu.sync_copy(xt_t, xt_hbm.at[:, :, pl.ds(b0, b_per_w)])

    return embed_gather


_SB = 2


def _proj_body(xt_ref, w_ref, t_ref):
    for k in range(_SB):
        t_ref[k] = lax.dot_general(
            w_ref[...], xt_ref[k],
            dimension_numbers=(((1,), (0,)), ((), ())),
            preferred_element_type=jnp.float32)


def _tc_project(xt, w, seq, batch):
    return pl.pallas_call(
        _proj_body,
        grid=(seq // _SB,),
        in_specs=[
            pl.BlockSpec((_SB, _EMB, batch), lambda s: (s, 0, 0)),
            pl.BlockSpec((_VOCAB, _EMB), lambda s: (0, 0)),
        ],
        out_specs=pl.BlockSpec((_SB, _VOCAB, batch), lambda s: (s, 0, 0)),
        out_shape=jax.ShapeDtypeStruct((seq, _VOCAB, batch), jnp.float32),
    )(xt, w)


def kernel(idx, embed_table, head_w):
    b, s = idx.shape
    xt = _make_sc_embed_gather(b, s)(idx.astype(jnp.int32), embed_table)
    t = _tc_project(xt, head_w, s, b)
    return t.transpose(2, 0, 1)

# --- scband reference (transcript-rebuilt; emitter-appended) ---
"""Pipeline reference for scband-tiny-model-29626684408010 (READ-ONLY COPY).

The authoritative reference and input builder live on the scoring server;
editing this copy changes nothing except your own understanding.
"""

import jax, jax.numpy as jnp
import numpy as np

VOCAB = 1000
EMBED_DIM = 8
BATCH = 1024
SEQ = 50

def setup_inputs(seed: int = 0) -> dict:
    key = jax.random.key(seed)
    k1, k2, k3 = jax.random.split(key, 3)
    idx = jax.random.randint(k1, (BATCH, SEQ), 0, VOCAB, dtype=jnp.int64 if jax.config.jax_enable_x64 else jnp.int32)
    embed_table = jax.random.normal(k2, (VOCAB, EMBED_DIM), dtype=jnp.float32)
    head_w = jax.random.normal(k3, (VOCAB, EMBED_DIM), dtype=jnp.float32) * (1.0 / np.sqrt(EMBED_DIM))
    return {"idx": idx, "embed_table": embed_table, "head_w": head_w}

def reference(idx, embed_table, head_w):
    # nn.Embedding: gather rows of the table
    x = jnp.take(embed_table, idx, axis=0)            # [B, S, 8]
    # nn.Linear(8, vocab, bias=False): x @ W.T with W [vocab, 8]
    logits = jnp.einsum('bsd,vd->bsv', x, head_w)      # [B, S, vocab]
    return logits

if __name__ == "__main__":
    import jax
    _d = setup_inputs()
    print(jax.jit(kernel)(*tuple(_d.values())))

</pallas_src>

<mosaic_0001>
#map = affine_map<(d0, d1) -> (0, 0)>
#map1 = affine_map<(d0, d1) -> (0, 0, 0)>
module attributes {stable_mosaic.version = 14 : i64} {
  func.func @embed_gather(%arg0: i32, %arg1: i32, %arg2: memref<1024x50xi32, #tpu.memory_space<hbm>>, %arg3: memref<1000x8xf32, #tpu.memory_space<hbm>>, %arg4: memref<50x8x1024xf32, #tpu.memory_space<hbm>>, %arg5: memref<1000x8xf32, #tpu.memory_space<vmem>>, %arg6: memref<32x50xi32, #tpu.memory_space<vmem>>, %arg7: memref<50x8x32xf32, #tpu.memory_space<vmem>>) attributes {dimension_semantics = [#tpu.dimension_semantics<core_parallel>, #tpu.dimension_semantics<subcore_parallel>], iteration_bounds = array<i64: 2, 16>, scalar_prefetch = 0 : i64, scratch_operands = 3 : i64, tpu.core_type = #tpu.core_type<sc_vector_subcore>, window_params = [{transform_indices = #map}, {transform_indices = #map}, {transform_indices = #map1}]} {
    %mul3A = arith.constant 2 : i32
    %mul3A_0 = arith.muli %arg1, %mul3A : i32
    %add3A = arith.addi %mul3A_0, %arg0 : i32
    %mul3A_1 = arith.constant 32 : i32
    %mul3A_2 = arith.muli %add3A, %mul3A_1 : i32
    "tpu.region"() ({
      %run_scoped3A = tpu.sem_alloc : memref<!tpu.dma_semaphore, #tpu.memory_space<semaphore_mem>>
      tpu.enqueue_dma source(%arg3 : memref<1000x8xf32, #tpu.memory_space<hbm>>) target(%arg5 : memref<1000x8xf32, #tpu.memory_space<vmem>>) target_semaphore(%run_scoped3A : memref<!tpu.dma_semaphore, #tpu.memory_space<semaphore_mem>>)
      tpu.wait_dma2 semaphore(%run_scoped3A : memref<!tpu.dma_semaphore, #tpu.memory_space<semaphore_mem>>) src(%arg3 : memref<1000x8xf32, #tpu.memory_space<hbm>>) dst(%arg5 : memref<1000x8xf32, #tpu.memory_space<vmem>>)
      tpu.yield
    }) : () -> ()
    "tpu.region"() ({
      %run_scoped3A = tpu.sem_alloc : memref<!tpu.dma_semaphore, #tpu.memory_space<semaphore_mem>>
      %dma_start3A = arith.constant 0 : i32
      %dma_start3A_8 = tpu.memref_slice %arg2[%mul3A_2, %dma_start3A] : memref<1024x50xi32, #tpu.memory_space<hbm>> -> memref<32x50xi32, #tpu.memory_space<hbm>>
      %dma_start3A_9 = arith.constant 0 : i32
      %dma_start3A_10 = tpu.memref_slice %arg2[%mul3A_2, %dma_start3A_9] : memref<1024x50xi32, #tpu.memory_space<hbm>> -> memref<32x50xi32, #tpu.memory_space<hbm>>
      tpu.enqueue_dma source(%dma_start3A_10 : memref<32x50xi32, #tpu.memory_space<hbm>>) target(%arg6 : memref<32x50xi32, #tpu.memory_space<vmem>>) target_semaphore(%run_scoped3A : memref<!tpu.dma_semaphore, #tpu.memory_space<semaphore_mem>>)
      %dma_wait3A = arith.constant 0 : i32
      %dma_wait3A_11 = tpu.memref_slice %arg2[%mul3A_2, %dma_wait3A] : memref<1024x50xi32, #tpu.memory_space<hbm>> -> memref<32x50xi32, #tpu.memory_space<hbm>>
      %dma_wait3A_12 = arith.constant 0 : i32
      %dma_wait3A_13 = tpu.memref_slice %arg2[%mul3A_2, %dma_wait3A_12] : memref<1024x50xi32, #tpu.memory_space<hbm>> -> memref<32x50xi32, #tpu.memory_space<hbm>>
      tpu.wait_dma2 semaphore(%run_scoped3A : memref<!tpu.dma_semaphore, #tpu.memory_space<semaphore_mem>>) src(%dma_wait3A_13 : memref<32x50xi32, #tpu.memory_space<hbm>>) dst(%arg6 : memref<32x50xi32, #tpu.memory_space<vmem>>)
      tpu.yield
    }) : () -> ()
    %iota3A = tpu.iota {dimensions = array<i32: 0>} : vector<16xi32>
    %scan3A = arith.constant 0 : i32
    %scan3A_3 = arith.constant 0 : i32
    %scan3A_4 = arith.constant 50 : i32
    %scan3A_5 = arith.addi %scan3A_3, %scan3A_4 : i32
    %scan3A_6 = arith.constant 1 : i32
    scf.for %scan3A_8 = %scan3A_3 to %scan3A_5 step %scan3A_6  : i32 {
      %broadcast_in_dim3A = arith.constant 0 : i32
      %broadcast_in_dim3A_9 = vector.broadcast %broadcast_in_dim3A : i32 to vector<16xi32>
      %add3A_10 = vector.broadcast %scan3A_8 : i32 to vector<16xi32>
      %add3A_11 = arith.addi %broadcast_in_dim3A_9, %add3A_10 : vector<16xi32>
      %add3A_12 = arith.constant 0 : i32
      %add3A_13 = vector.broadcast %add3A_12 : i32 to vector<16xi32>
      %add3A_14 = arith.addi %iota3A, %add3A_13 : vector<16xi32>
      %gather3A = tpu.vector_load_idx %arg6[%add3A_14, %add3A_11] : memref<32x50xi32, #tpu.memory_space<vmem>>[vector<16xi32>, vector<16xi32>], vector<16xi32>,
      %broadcast_in_dim3A_15 = arith.constant 0 : i32
      %broadcast_in_dim3A_16 = vector.broadcast %broadcast_in_dim3A_15 : i32 to vector<16xi32>
      %gather3A_17 = tpu.vector_load_idx %arg5[%gather3A, %broadcast_in_dim3A_16] : memref<1000x8xf32, #tpu.memory_space<vmem>>[vector<16xi32>, vector<16xi32>], vector<16xf32>,
      %swap3A = arith.constant 0 : i32
      %swap3A_18 = arith.index_cast %scan3A_8 : i32 to index
      %swap3A_19 = arith.index_cast %swap3A : i32 to index
      %swap3A_20 = arith.constant 0 : index
      %swap3A_21 = tpu.vector_load %arg7[%swap3A_18, %swap3A_19, %swap3A_20] {strides = array<i32>} : memref<50x8x32xf32, #tpu.memory_space<vmem>>, vector<16xf32>,
      tpu.vector_store %arg7[%swap3A_18, %swap3A_19, %swap3A_20], %gather3A_17 {strides = array<i32>} : memref<50x8x32xf32, #tpu.memory_space<vmem>>, vector<16xf32>,
      %broadcast_in_dim3A_22 = arith.constant 1 : i32
      %broadcast_in_dim3A_23 = vector.broadcast %broadcast_in_dim3A_22 : i32 to vector<16xi32>
      %gather3A_24 = tpu.vector_load_idx %arg5[%gather3A, %broadcast_in_dim3A_23] : memref<1000x8xf32, #tpu.memory_space<vmem>>[vector<16xi32>, vector<16xi32>], vector<16xf32>,
      %swap3A_25 = arith.constant 1 : i32
      %swap3A_26 = arith.index_cast %scan3A_8 : i32 to index
      %swap3A_27 = arith.index_cast %swap3A_25 : i32 to index
      %swap3A_28 = arith.constant 0 : index
      %swap3A_29 = tpu.vector_load %arg7[%swap3A_26, %swap3A_27, %swap3A_28] {strides = array<i32>} : memref<50x8x32xf32, #tpu.memory_space<vmem>>, vector<16xf32>,
      tpu.vector_store %arg7[%swap3A_26, %swap3A_27, %swap3A_28], %gather3A_24 {strides = array<i32>} : memref<50x8x32xf32, #tpu.memory_space<vmem>>, vector<16xf32>,
      %broadcast_in_dim3A_30 = arith.constant 2 : i32
      %broadcast_in_dim3A_31 = vector.broadcast %broadcast_in_dim3A_30 : i32 to vector<16xi32>
      %gather3A_32 = tpu.vector_load_idx %arg5[%gather3A, %broadcast_in_dim3A_31] : memref<1000x8xf32, #tpu.memory_space<vmem>>[vector<16xi32>, vector<16xi32>], vector<16xf32>,
      %swap3A_33 = arith.constant 2 : i32
      %swap3A_34 = arith.index_cast %scan3A_8 : i32 to index
      %swap3A_35 = arith.index_cast %swap3A_33 : i32 to index
      %swap3A_36 = arith.constant 0 : index
      %swap3A_37 = tpu.vector_load %arg7[%swap3A_34, %swap3A_35, %swap3A_36] {strides = array<i32>} : memref<50x8x32xf32, #tpu.memory_space<vmem>>, vector<16xf32>,
      tpu.vector_store %arg7[%swap3A_34, %swap3A_35, %swap3A_36], %gather3A_32 {strides = array<i32>} : memref<50x8x32xf32, #tpu.memory_space<vmem>>, vector<16xf32>,
      %broadcast_in_dim3A_38 = arith.constant 3 : i32
      %broadcast_in_dim3A_39 = vector.broadcast %broadcast_in_dim3A_38 : i32 to vector<16xi32>
      %gather3A_40 = tpu.vector_load_idx %arg5[%gather3A, %broadcast_in_dim3A_39] : memref<1000x8xf32, #tpu.memory_space<vmem>>[vector<16xi32>, vector<16xi32>], vector<16xf32>,
      %swap3A_41 = arith.constant 3 : i32
      %swap3A_42 = arith.index_cast %scan3A_8 : i32 to index
      %swap3A_43 = arith.index_cast %swap3A_41 : i32 to index
      %swap3A_44 = arith.constant 0 : index
      %swap3A_45 = tpu.vector_load %arg7[%swap3A_42, %swap3A_43, %swap3A_44] {strides = array<i32>} : memref<50x8x32xf32, #tpu.memory_space<vmem>>, vector<16xf32>,
      tpu.vector_store %arg7[%swap3A_42, %swap3A_43, %swap3A_44], %gather3A_40 {strides = array<i32>} : memref<50x8x32xf32, #tpu.memory_space<vmem>>, vector<16xf32>,
      %broadcast_in_dim3A_46 = arith.constant 4 : i32
      %broadcast_in_dim3A_47 = vector.broadcast %broadcast_in_dim3A_46 : i32 to vector<16xi32>
      %gather3A_48 = tpu.vector_load_idx %arg5[%gather3A, %broadcast_in_dim3A_47] : memref<1000x8xf32, #tpu.memory_space<vmem>>[vector<16xi32>, vector<16xi32>], vector<16xf32>,
      %swap3A_49 = arith.constant 4 : i32
      %swap3A_50 = arith.index_cast %scan3A_8 : i32 to index
      %swap3A_51 = arith.index_cast %swap3A_49 : i32 to index
      %swap3A_52 = arith.constant 0 : index
      %swap3A_53 = tpu.vector_load %arg7[%swap3A_50, %swap3A_51, %swap3A_52] {strides = array<i32>} : memref<50x8x32xf32, #tpu.memory_space<vmem>>, vector<16xf32>,
      tpu.vector_store %arg7[%swap3A_50, %swap3A_51, %swap3A_52], %gather3A_48 {strides = array<i32>} : memref<50x8x32xf32, #tpu.memory_space<vmem>>, vector<16xf32>,
      %broadcast_in_dim3A_54 = arith.constant 5 : i32
      %broadcast_in_dim3A_55 = vector.broadcast %broadcast_in_dim3A_54 : i32 to vector<16xi32>
      %gather3A_56 = tpu.vector_load_idx %arg5[%gather3A, %broadcast_in_dim3A_55] : memref<1000x8xf32, #tpu.memory_space<vmem>>[vector<16xi32>, vector<16xi32>], vector<16xf32>,
      %swap3A_57 = arith.constant 5 : i32
      %swap3A_58 = arith.index_cast %scan3A_8 : i32 to index
      %swap3A_59 = arith.index_cast %swap3A_57 : i32 to index
      %swap3A_60 = arith.constant 0 : index
      %swap3A_61 = tpu.vector_load %arg7[%swap3A_58, %swap3A_59, %swap3A_60] {strides = array<i32>} : memref<50x8x32xf32, #tpu.memory_space<vmem>>, vector<16xf32>,
      tpu.vector_store %arg7[%swap3A_58, %swap3A_59, %swap3A_60], %gather3A_56 {strides = array<i32>} : memref<50x8x32xf32, #tpu.memory_space<vmem>>, vector<16xf32>,
      %broadcast_in_dim3A_62 = arith.constant 6 : i32
      %broadcast_in_dim3A_63 = vector.broadcast %broadcast_in_dim3A_62 : i32 to vector<16xi32>
      %gather3A_64 = tpu.vector_load_idx %arg5[%gather3A, %broadcast_in_dim3A_63] : memref<1000x8xf32, #tpu.memory_space<vmem>>[vector<16xi32>, vector<16xi32>], vector<16xf32>,
      %swap3A_65 = arith.constant 6 : i32
      %swap3A_66 = arith.index_cast %scan3A_8 : i32 to index
      %swap3A_67 = arith.index_cast %swap3A_65 : i32 to index
      %swap3A_68 = arith.constant 0 : index
      %swap3A_69 = tpu.vector_load %arg7[%swap3A_66, %swap3A_67, %swap3A_68] {strides = array<i32>} : memref<50x8x32xf32, #tpu.memory_space<vmem>>, vector<16xf32>,
      tpu.vector_store %arg7[%swap3A_66, %swap3A_67, %swap3A_68], %gather3A_64 {strides = array<i32>} : memref<50x8x32xf32, #tpu.memory_space<vmem>>, vector<16xf32>,
      %broadcast_in_dim3A_70 = arith.constant 7 : i32
      %broadcast_in_dim3A_71 = vector.broadcast %broadcast_in_dim3A_70 : i32 to vector<16xi32>
      %gather3A_72 = tpu.vector_load_idx %arg5[%gather3A, %broadcast_in_dim3A_71] : memref<1000x8xf32, #tpu.memory_space<vmem>>[vector<16xi32>, vector<16xi32>], vector<16xf32>,
      %swap3A_73 = arith.constant 7 : i32
      %swap3A_74 = arith.index_cast %scan3A_8 : i32 to index
      %swap3A_75 = arith.index_cast %swap3A_73 : i32 to index
      %swap3A_76 = arith.constant 0 : index
      %swap3A_77 = tpu.vector_load %arg7[%swap3A_74, %swap3A_75, %swap3A_76] {strides = array<i32>} : memref<50x8x32xf32, #tpu.memory_space<vmem>>, vector<16xf32>,
      tpu.vector_store %arg7[%swap3A_74, %swap3A_75, %swap3A_76], %gather3A_72 {strides = array<i32>} : memref<50x8x32xf32, #tpu.memory_space<vmem>>, vector<16xf32>,
      %add3A_78 = arith.constant 16 : i32
      %add3A_79 = vector.broadcast %add3A_78 : i32 to vector<16xi32>
      %add3A_80 = arith.addi %iota3A, %add3A_79 : vector<16xi32>
      %gather3A_81 = tpu.vector_load_idx %arg6[%add3A_80, %add3A_11] : memref<32x50xi32, #tpu.memory_space<vmem>>[vector<16xi32>, vector<16xi32>], vector<16xi32>,
      %broadcast_in_dim3A_82 = arith.constant 0 : i32
      %broadcast_in_dim3A_83 = vector.broadcast %broadcast_in_dim3A_82 : i32 to vector<16xi32>
      %gather3A_84 = tpu.vector_load_idx %arg5[%gather3A_81, %broadcast_in_dim3A_83] : memref<1000x8xf32, #tpu.memory_space<vmem>>[vector<16xi32>, vector<16xi32>], vector<16xf32>,
      %swap3A_85 = arith.constant 0 : i32
      %swap3A_86 = arith.index_cast %scan3A_8 : i32 to index
      %swap3A_87 = arith.index_cast %swap3A_85 : i32 to index
      %swap3A_88 = arith.constant 16 : index
      %swap3A_89 = tpu.vector_load %arg7[%swap3A_86, %swap3A_87, %swap3A_88] {strides = array<i32>} : memref<50x8x32xf32, #tpu.memory_space<vmem>>, vector<16xf32>,
      tpu.vector_store %arg7[%swap3A_86, %swap3A_87, %swap3A_88], %gather3A_84 {strides = array<i32>} : memref<50x8x32xf32, #tpu.memory_space<vmem>>, vector<16xf32>,
      %broadcast_in_dim3A_90 = arith.constant 1 : i32
      %broadcast_in_dim3A_91 = vector.broadcast %broadcast_in_dim3A_90 : i32 to vector<16xi32>
      %gather3A_92 = tpu.vector_load_idx %arg5[%gather3A_81, %broadcast_in_dim3A_91] : memref<1000x8xf32, #tpu.memory_space<vmem>>[vector<16xi32>, vector<16xi32>], vector<16xf32>,
      %swap3A_93 = arith.constant 1 : i32
      %swap3A_94 = arith.index_cast %scan3A_8 : i32 to index
      %swap3A_95 = arith.index_cast %swap3A_93 : i32 to index
      %swap3A_96 = arith.constant 16 : index
      %swap3A_97 = tpu.vector_load %arg7[%swap3A_94, %swap3A_95, %swap3A_96] {strides = array<i32>} : memref<50x8x32xf32, #tpu.memory_space<vmem>>, vector<16xf32>,
      tpu.vector_store %arg7[%swap3A_94, %swap3A_95, %swap3A_96], %gather3A_92 {strides = array<i32>} : memref<50x8x32xf32, #tpu.memory_space<vmem>>, vector<16xf32>,
      %broadcast_in_dim3A_98 = arith.constant 2 : i32
      %broadcast_in_dim3A_99 = vector.broadcast %broadcast_in_dim3A_98 : i32 to vector<16xi32>
      %gather3A_100 = tpu.vector_load_idx %arg5[%gather3A_81, %broadcast_in_dim3A_99] : memref<1000x8xf32, #tpu.memory_space<vmem>>[vector<16xi32>, vector<16xi32>], vector<16xf32>,
      %swap3A_101 = arith.constant 2 : i32
      %swap3A_102 = arith.index_cast %scan3A_8 : i32 to index
      %swap3A_103 = arith.index_cast %swap3A_101 : i32 to index
      %swap3A_104 = arith.constant 16 : index
      %swap3A_105 = tpu.vector_load %arg7[%swap3A_102, %swap3A_103, %swap3A_104] {strides = array<i32>} : memref<50x8x32xf32, #tpu.memory_space<vmem>>, vector<16xf32>,
      tpu.vector_store %arg7[%swap3A_102, %swap3A_103, %swap3A_104], %gather3A_100 {strides = array<i32>} : memref<50x8x32xf32, #tpu.memory_space<vmem>>, vector<16xf32>,
      %broadcast_in_dim3A_106 = arith.constant 3 : i32
      %broadcast_in_dim3A_107 = vector.broadcast %broadcast_in_dim3A_106 : i32 to vector<16xi32>
      %gather3A_108 = tpu.vector_load_idx %arg5[%gather3A_81, %broadcast_in_dim3A_107] : memref<1000x8xf32, #tpu.memory_space<vmem>>[vector<16xi32>, vector<16xi32>], vector<16xf32>,
      %swap3A_109 = arith.constant 3 : i32
      %swap3A_110 = arith.index_cast %scan3A_8 : i32 to index
      %swap3A_111 = arith.index_cast %swap3A_109 : i32 to index
      %swap3A_112 = arith.constant 16 : index
      %swap3A_113 = tpu.vector_load %arg7[%swap3A_110, %swap3A_111, %swap3A_112] {strides = array<i32>} : memref<50x8x32xf32, #tpu.memory_space<vmem>>, vector<16xf32>,
      tpu.vector_store %arg7[%swap3A_110, %swap3A_111, %swap3A_112], %gather3A_108 {strides = array<i32>} : memref<50x8x32xf32, #tpu.memory_space<vmem>>, vector<16xf32>,
      %broadcast_in_dim3A_114 = arith.constant 4 : i32
      %broadcast_in_dim3A_115 = vector.broadcast %broadcast_in_dim3A_114 : i32 to vector<16xi32>
      %gather3A_116 = tpu.vector_load_idx %arg5[%gather3A_81, %broadcast_in_dim3A_115] : memref<1000x8xf32, #tpu.memory_space<vmem>>[vector<16xi32>, vector<16xi32>], vector<16xf32>,
      %swap3A_117 = arith.constant 4 : i32
      %swap3A_118 = arith.index_cast %scan3A_8 : i32 to index
      %swap3A_119 = arith.index_cast %swap3A_117 : i32 to index
      %swap3A_120 = arith.constant 16 : index
      %swap3A_121 = tpu.vector_load %arg7[%swap3A_118, %swap3A_119, %swap3A_120] {strides = array<i32>} : memref<50x8x32xf32, #tpu.memory_space<vmem>>, vector<16xf32>,
      tpu.vector_store %arg7[%swap3A_118, %swap3A_119, %swap3A_120], %gather3A_116 {strides = array<i32>} : memref<50x8x32xf32, #tpu.memory_space<vmem>>, vector<16xf32>,
      %broadcast_in_dim3A_122 = arith.constant 5 : i32
      %broadcast_in_dim3A_123 = vector.broadcast %broadcast_in_dim3A_122 : i32 to vector<16xi32>
      %gather3A_124 = tpu.vector_load_idx %arg5[%gather3A_81, %broadcast_in_dim3A_123] : memref<1000x8xf32, #tpu.memory_space<vmem>>[vector<16xi32>, vector<16xi32>], vector<16xf32>,
      %swap3A_125 = arith.constant 5 : i32
      %swap3A_126 = arith.index_cast %scan3A_8 : i32 to index
      %swap3A_127 = arith.index_cast %swap3A_125 : i32 to index
      %swap3A_128 = arith.constant 16 : index
      %swap3A_129 = tpu.vector_load %arg7[%swap3A_126, %swap3A_127, %swap3A_128] {strides = array<i32>} : memref<50x8x32xf32, #tpu.memory_space<vmem>>, vector<16xf32>,
      tpu.vector_store %arg7[%swap3A_126, %swap3A_127, %swap3A_128], %gather3A_124 {strides = array<i32>} : memref<50x8x32xf32, #tpu.memory_space<vmem>>, vector<16xf32>,
      %broadcast_in_dim3A_130 = arith.constant 6 : i32
      %broadcast_in_dim3A_131 = vector.broadcast %broadcast_in_dim3A_130 : i32 to vector<16xi32>
      %gather3A_132 = tpu.vector_load_idx %arg5[%gather3A_81, %broadcast_in_dim3A_131] : memref<1000x8xf32, #tpu.memory_space<vmem>>[vector<16xi32>, vector<16xi32>], vector<16xf32>,
      %swap3A_133 = arith.constant 6 : i32
      %swap3A_134 = arith.index_cast %scan3A_8 : i32 to index
      %swap3A_135 = arith.index_cast %swap3A_133 : i32 to index
      %swap3A_136 = arith.constant 16 : index
      %swap3A_137 = tpu.vector_load %arg7[%swap3A_134, %swap3A_135, %swap3A_136] {strides = array<i32>} : memref<50x8x32xf32, #tpu.memory_space<vmem>>, vector<16xf32>,
      tpu.vector_store %arg7[%swap3A_134, %swap3A_135, %swap3A_136], %gather3A_132 {strides = array<i32>} : memref<50x8x32xf32, #tpu.memory_space<vmem>>, vector<16xf32>,
      %broadcast_in_dim3A_138 = arith.constant 7 : i32
      %broadcast_in_dim3A_139 = vector.broadcast %broadcast_in_dim3A_138 : i32 to vector<16xi32>
      %gather3A_140 = tpu.vector_load_idx %arg5[%gather3A_81, %broadcast_in_dim3A_139] : memref<1000x8xf32, #tpu.memory_space<vmem>>[vector<16xi32>, vector<16xi32>], vector<16xf32>,
      %swap3A_141 = arith.constant 7 : i32
      %swap3A_142 = arith.index_cast %scan3A_8 : i32 to index
      %swap3A_143 = arith.index_cast %swap3A_141 : i32 to index
      %swap3A_144 = arith.constant 16 : index
      %swap3A_145 = tpu.vector_load %arg7[%swap3A_142, %swap3A_143, %swap3A_144] {strides = array<i32>} : memref<50x8x32xf32, #tpu.memory_space<vmem>>, vector<16xf32>,
      tpu.vector_store %arg7[%swap3A_142, %swap3A_143, %swap3A_144], %gather3A_140 {strides = array<i32>} : memref<50x8x32xf32, #tpu.memory_space<vmem>>, vector<16xf32>,
    }
    %scan3A_7 = arith.constant 50 : i32
    "tpu.region"() ({
      %run_scoped3A = tpu.sem_alloc : memref<!tpu.dma_semaphore, #tpu.memory_space<semaphore_mem>>
      %dma_start3A = arith.constant 0 : i32
      %dma_start3A_8 = arith.constant 0 : i32
      %dma_start3A_9 = tpu.memref_slice %arg4[%dma_start3A, %dma_start3A_8, %mul3A_2] : memref<50x8x1024xf32, #tpu.memory_space<hbm>> -> memref<50x8x32xf32, #tpu.memory_space<hbm>>
      %dma_start3A_10 = arith.constant 0 : i32
      %dma_start3A_11 = arith.constant 0 : i32
      %dma_start3A_12 = tpu.memref_slice %arg4[%dma_start3A_10, %dma_start3A_11, %mul3A_2] : memref<50x8x1024xf32, #tpu.memory_space<hbm>> -> memref<50x8x32xf32, #tpu.memory_space<hbm>>
      tpu.enqueue_dma source(%arg7 : memref<50x8x32xf32, #tpu.memory_space<vmem>>) target(%dma_start3A_12 : memref<50x8x32xf32, #tpu.memory_space<hbm>>) target_semaphore(%run_scoped3A : memref<!tpu.dma_semaphore, #tpu.memory_space<semaphore_mem>>)
      %dma_wait3A = arith.constant 0 : i32
      %dma_wait3A_13 = arith.constant 0 : i32
      %dma_wait3A_14 = tpu.memref_slice %arg4[%dma_wait3A, %dma_wait3A_13, %mul3A_2] : memref<50x8x1024xf32, #tpu.memory_space<hbm>> -> memref<50x8x32xf32, #tpu.memory_space<hbm>>
      %dma_wait3A_15 = arith.constant 0 : i32
      %dma_wait3A_16 = arith.constant 0 : i32
      %dma_wait3A_17 = tpu.memref_slice %arg4[%dma_wait3A_15, %dma_wait3A_16, %mul3A_2] : memref<50x8x1024xf32, #tpu.memory_space<hbm>> -> memref<50x8x32xf32, #tpu.memory_space<hbm>>
      tpu.wait_dma2 semaphore(%run_scoped3A : memref<!tpu.dma_semaphore, #tpu.memory_space<semaphore_mem>>) src(%arg7 : memref<50x8x32xf32, #tpu.memory_space<vmem>>) dst(%dma_wait3A_17 : memref<50x8x32xf32, #tpu.memory_space<hbm>>)
      tpu.yield
    }) : () -> ()
    return
  }
}

module attributes {stable_mosaic.version = 14 : i64} {
  func.func @_proj_body(%arg0: i32, %arg1: memref<2x8x1024xf32, #tpu.memory_space<vmem>>, %arg2: memref<1000x8xf32, #tpu.memory_space<vmem>>, %arg3: memref<2x1000x1024xf32, #tpu.memory_space<vmem>>) attributes {dimension_semantics = [#tpu.dimension_semantics<arbitrary>], iteration_bounds = array<i64: 25>, scalar_prefetch = 0 : i64, scratch_operands = 0 : i64, tpu.core_type = #tpu.core_type<tc>, window_params = [{transform_indices = @transform_0, window_bounds = array<i64: 2, 8, 1024>}, {pipeline_mode = #tpu.pipeline_mode<synchronous>, transform_indices = @transform_1, window_bounds = array<i64: 1000, 8>}, {transform_indices = @transform_2, window_bounds = array<i64: 2, 1000, 1024>}]} {
    %get3A = arith.constant 0 : index
    %get3A_0 = arith.constant 0 : index
    %get3A_1 = vector.load %arg2[%get3A, %get3A_0] : memref<1000x8xf32, #tpu.memory_space<vmem>>, vector<1000x8xf32>
    %get3A_2 = arith.constant 0 : index
    %get3A_3 = arith.constant 0 : index
    %get3A_4 = arith.constant 0 : index
    %get3A_5 = vector.load %arg1[%get3A_2, %get3A_3, %get3A_4] : memref<2x8x1024xf32, #tpu.memory_space<vmem>>, vector<1x8x1024xf32>
    %get3A_6 = vector.shape_cast %get3A_5 : vector<1x8x1024xf32> to vector<8x1024xf32>
    %dot_general3A = arith.constant dense<0.000000e+00> : vector<1000x1024xf32>
    %dot_general3A_7 = tpu.matmul %get3A_1, %get3A_6, %dot_general3A {dimension_numbers = #tpu.dot_dimension_numbers<[1], [0], [0], [1], [0, 0, 1, 1], [], []>, transpose_lhs_hint = false} : vector<1000x8xf32>, vector<8x1024xf32>, vector<1000x1024xf32> -> vector<1000x1024xf32>
    %swap3A = arith.constant 0 : index
    %swap3A_8 = arith.constant 0 : index
    %swap3A_9 = arith.constant 0 : index
    %swap3A_10 = vector.load %arg3[%swap3A, %swap3A_8, %swap3A_9] : memref<2x1000x1024xf32, #tpu.memory_space<vmem>>, vector<1x1000x1024xf32>
    %swap3A_11 = vector.shape_cast %swap3A_10 : vector<1x1000x1024xf32> to vector<1000x1024xf32>
    %swap3A_12 = vector.shape_cast %dot_general3A_7 : vector<1000x1024xf32> to vector<1x1000x1024xf32>
    tpu.vector_store %arg3[%swap3A, %swap3A_8, %swap3A_9], %swap3A_12 {strides = array<i32>} : memref<2x1000x1024xf32, #tpu.memory_space<vmem>>, vector<1x1000x1024xf32>,
    %get3A_13 = arith.constant 0 : index
    %get3A_14 = arith.constant 0 : index
    %get3A_15 = vector.load %arg2[%get3A_13, %get3A_14] : memref<1000x8xf32, #tpu.memory_space<vmem>>, vector<1000x8xf32>
    %get3A_16 = arith.constant 1 : index
    %get3A_17 = arith.constant 0 : index
    %get3A_18 = arith.constant 0 : index
    %get3A_19 = vector.load %arg1[%get3A_16, %get3A_17, %get3A_18] : memref<2x8x1024xf32, #tpu.memory_space<vmem>>, vector<1x8x1024xf32>
    %get3A_20 = vector.shape_cast %get3A_19 : vector<1x8x1024xf32> to vector<8x1024xf32>
    %dot_general3A_21 = arith.constant dense<0.000000e+00> : vector<1000x1024xf32>
    %dot_general3A_22 = tpu.matmul %get3A_15, %get3A_20, %dot_general3A_21 {dimension_numbers = #tpu.dot_dimension_numbers<[1], [0], [0], [1], [0, 0, 1, 1], [], []>, transpose_lhs_hint = false} : vector<1000x8xf32>, vector<8x1024xf32>, vector<1000x1024xf32> -> vector<1000x1024xf32>
    %swap3A_23 = arith.constant 1 : index
    %swap3A_24 = arith.constant 0 : index
    %swap3A_25 = arith.constant 0 : index
    %swap3A_26 = vector.load %arg3[%swap3A_23, %swap3A_24, %swap3A_25] : memref<2x1000x1024xf32, #tpu.memory_space<vmem>>, vector<1x1000x1024xf32>
    %swap3A_27 = vector.shape_cast %swap3A_26 : vector<1x1000x1024xf32> to vector<1000x1024xf32>
    %swap3A_28 = vector.shape_cast %dot_general3A_22 : vector<1000x1024xf32> to vector<1x1000x1024xf32>
    tpu.vector_store %arg3[%swap3A_23, %swap3A_24, %swap3A_25], %swap3A_28 {strides = array<i32>} : memref<2x1000x1024xf32, #tpu.memory_space<vmem>>, vector<1x1000x1024xf32>,
    return
  }
  func.func @transform_0(%arg0: i32) -> (i32, i32, i32) {
    %c0_i32 = arith.constant 0 : i32
    %c0_i32_0 = arith.constant 0 : i32
    %c0_i32_1 = arith.constant 0 : i32
    return %arg0, %c0_i32, %c0_i32_0 : i32, i32, i32
  }
  func.func @transform_1(%arg0: i32) -> (i32, i32) {
    %c0_i32 = arith.constant 0 : i32
    %c0_i32_0 = arith.constant 0 : i32
    %c0_i32_1 = arith.constant 0 : i32
    return %c0_i32, %c0_i32_0 : i32, i32
  }
  func.func @transform_2(%arg0: i32) -> (i32, i32, i32) {
    %c0_i32 = arith.constant 0 : i32
    %c0_i32_0 = arith.constant 0 : i32
    %c0_i32_1 = arith.constant 0 : i32
    return %arg0, %c0_i32, %c0_i32_0 : i32, i32, i32
  }
}

</mosaic_0001>

<sc_bundles>
// kernel: kernel.4.cloned.1.call-start
scs
__scs_entry_jumppad:
0x0: {  	(pc) =	sbr.rel $0x88, $3  }
0x1: {  	(tag) =	ssettag $0x0;
	lr =	simm.s32 $0x1  }
0x2: {  	[smem:$0x3F9E] =	sst lr;
	_ =	strace $0xD0000000  }
0x3: {  	_ = 	snop  }
0x4: {  	_ = 	snop  }
0x5: {  	_ = 	snop  }
0x6: {  	_ = 	snop  }
0x7: {  	_ = 	snop  }
__scs_overlays_trampoline_lowered:
0x8: {  	[smem:$0x3FAD] =	sst s0  }
0x9: {  	[smem:$0x3FAE] =	sst s1  }
0xa: {  	[smem:$0x3FAF] =	sst s2  }
0xb: {  	[smem:$0x3FB0] =	sst s3  }
0xc: {  	[smem:$0x3FB1] =	sst s4  }
0xd: {  	[smem:$0x3FB2] =	sst s5  }
0xe: {  	[smem:$0x3FB3] =	sst s6  }
0xf: {  	[smem:$0x3FB4] =	sst s7  }
0x10: {  	[smem:$0x3FB5] =	sst s8  }
0x11: {  	[smem:$0x3FB6] =	sst s9;
	s0 =	simm.s32 @!p0 $0x0  }
0x12: {  	s1 =	sld [smem:$0x3F9C];
	s0 =	simm.s32 @p0 $0x1  }
0x13: {  	[smem:$0x3FB7] =	sst s0;
	s0 =	simm.s32 @!p1 $0x0  }
0x14: {  	s2 =	sld [smem:$0x3F9B];
	s0 =	simm.s32 @p1 $0x1  }
0x15: {  	[smem:$0x3FB8] =	sst s0;
	s0 =	simm.s32 @!p2 $0x0  }
0x16: {  	s3 =	sld [smem:$0x3FDB];
	s0 =	simm.s32 @p2 $0x1  }
0x17: {  	s4 =	simm.s32 $0x1BF5;
	[smem:$0x3FBA] =	sst s0  }
0x18: {  	s0 =	sld [smem:$0x3F9D];
	_ =	swait.ge [sflag:s4], $0x0  }
0x19: {  	s7 =	sld [smem:$0x3F9E]  }
0x1a: {  	s8 =	sadd.s32 $0xFFFFE003, lr  }
0x1b: {  	s9 =	sadd.s32 $0xFFFFFEF7, lr;
	s5 =	simm.s32 $0xFFFFFFFF;
	p2 =	slt.u32 s8, $0xFFFFF086  }
0x1c: {  	p1 =	slt.u32 s9, $0xF7A;
	s5 =	simm.s32 @!p2 $0x0  }
0x1d: {  	s5 =	simm.s32 @p1 $0x1;
	p0 =	seq.s32 s7, s2  }
0x1e: {  	s7 =	smul.u32 @!p0 $0xF7A, s2;
	p2 =	seq.s32 @!p0 s5, $0x0  }
0x1f: {  	s9 =	smul.u32 $0xF7A, s1;
	s8 =	simm.s32 @!p0 $0x1BF5;
	p2 =	por !p2, p0  }
0x20: {  	[sflag:s8] =	ssyncset.s32 @!p0 $0xFFFFF086;
	s6 =	sadd.s32 @!p0 s3, s7;
	s7 =	simm.s32 @!p0 $0x108  }
0x21: {  	s3 =	sadd.s32 s3, s9;
	s6 =	sadd.s32 @!p0 $0x88, s6;
	s7 =	simm.s32 @p2 $0x1082  }
0x22: {  	[simem:s7], [sflag:s8] =	dma.local @!p0 [hbm:s6], $0xF7A  }
0x23: {  	s9 =	sor.u32 $0xD0000000, s2;
	s6 =	simm.s32 $0x108;
	_ =	swait.ge @!p0 [sflag:s8], $0x0  }
0x24: {  	s3 =	sadd.s32 $0x88, s3;
	s6 =	simm.s32 @!p1 $0x1082;
	[sflag:s4] =	ssyncset.s32 $0xFFFFF086  }
0x25: {  	[simem:s6], [sflag:s4] =	dma.local [hbm:s3], $0xF7A  }
0x26: {  	[smem:$0x3F9E] =	sst s1;
	(tag) =	ssettag s2;
	_ =	strace s9  }
0x27: {  	s1 =	sld [smem:$0x3FAE]  }
0x28: {  	s2 =	sld [smem:$0x3FAF]  }
0x29: {  	s4 =	sld [smem:$0x3FB1]  }
0x2a: {  	p0 =	seq.s32 s5, $0x0;
	s5 =	sld [smem:$0x3FB2]  }
0x2b: {  	s6 =	sld [smem:$0x3FB3]  }
0x2c: {  	s7 =	sld [smem:$0x3FB4]  }
0x2d: {  	s3 =	simm.s32 $0x108;
	s8 =	sld [smem:$0x3FB5]  }
0x2e: {  	s3 =	simm.s32 @!p0 $0x1082;
	s9 =	sld [smem:$0x3FB6]  }
0x2f: {  	lr =	sadd.s32 s0, s3;
	s0 =	sld [smem:$0x3FAD]  }
0x30: {  	s3 =	sld [smem:$0x3FB0]  }
0x31: {  	[smem:$0x3FB9] =	sst s10  }
0x32: {  	s10 =	sld [smem:$0x3FB7];
	_ =	sdelay $0x3  }
0x33: {  	p0 =	seq.s32 s10, $0x1;
	s10 =	sld [smem:$0x3FB9];
	_ =	sdelay $0x3  }
0x34: {  	[smem:$0x3FB9] =	sst s10  }
0x35: {  	s10 =	sld [smem:$0x3FB8];
	_ =	sdelay $0x3  }
0x36: {  	p1 =	seq.s32 s10, $0x1;
	s10 =	sld [smem:$0x3FB9];
	_ =	sdelay $0x3  }
0x37: {  	[smem:$0x3FB9] =	sst s10  }
0x38: {  	s10 =	sld [smem:$0x3FBA]  }
0x39: {  	_ = 	snop;
	(pc) =	sbr.ind lr, $3  }
0x3a: {  	_ = 	snop  }
0x3b: {  	_ = 	snop  }
0x3c: {  	p2 =	seq.s32 s10, $0x1;
	s10 =	sld [smem:$0x3FB9]  }
0x3d: {  	_ =	shalt  }
0x3e: {  	_ =	shalt  }
0x3f: {  	_ =	shalt  }
0x40: {  	_ =	shalt  }
0x41: {  	_ =	shalt  }
0x42: {  	_ =	shalt  }
0x43: {  	_ =	shalt  }
0x44: {  	_ =	shalt  }
0x45: {  	_ =	shalt  }
0x46: {  	_ =	shalt  }
0x47: {  	_ =	shalt  }
0x48: {  	_ =	shalt  }
0x49: {  	_ =	shalt  }
0x4a: {  	_ =	shalt  }
0x4b: {  	_ =	shalt  }
0x4c: {  	_ =	shalt  }
0x4d: {  	_ =	shalt  }
0x4e: {  	_ =	shalt  }
0x4f: {  	_ =	shalt  }
0x50: {  	_ =	shalt  }
0x51: {  	_ =	shalt  }
0x52: {  	_ =	shalt  }
0x53: {  	_ =	shalt  }
0x54: {  	_ =	shalt  }
0x55: {  	_ =	shalt  }
0x56: {  	_ =	shalt  }
0x57: {  	_ =	shalt  }
0x58: {  	_ =	shalt  }
0x59: {  	_ =	shalt  }
0x5a: {  	_ =	shalt  }
0x5b: {  	_ =	shalt  }
0x5c: {  	_ =	shalt  }
0x5d: {  	_ =	shalt  }
0x5e: {  	_ =	shalt  }
0x5f: {  	_ =	shalt  }
0x60: {  	_ =	shalt  }
0x61: {  	_ =	shalt  }
0x62: {  	_ =	shalt  }
0x63: {  	_ =	shalt  }
0x64: {  	_ =	shalt  }
0x65: {  	_ =	shalt  }
0x66: {  	_ =	shalt  }
0x67: {  	_ =	shalt  }
0x68: {  	_ =	shalt  }
0x69: {  	_ =	shalt  }
0x6a: {  	_ =	shalt  }
0x6b: {  	_ =	shalt  }
0x6c: {  	_ =	shalt  }
0x6d: {  	_ =	shalt  }
0x6e: {  	_ =	shalt  }
0x6f: {  	_ =	shalt  }
0x70: {  	_ =	shalt  }
0x71: {  	_ =	shalt  }
0x72: {  	_ =	shalt  }
0x73: {  	_ =	shalt  }
0x74: {  	_ =	shalt  }
0x75: {  	_ =	shalt  }
0x76: {  	_ =	shalt  }
0x77: {  	_ =	shalt  }
0x78: {  	_ =	shalt  }
0x79: {  	_ =	shalt  }
0x7a: {  	_ =	shalt  }
0x7b: {  	_ =	shalt  }
0x7c: {  	_ =	shalt  }
0x7d: {  	_ =	shalt  }
0x7e: {  	_ =	shalt  }
0x7f: {  	_ =	shalt  }
0x80: {  	_ =	shalt  }
0x81: {  	_ =	shalt  }
0x82: {  	_ =	shalt  }
0x83: {  	_ =	shalt  }
0x84: {  	_ =	shalt  }
0x85: {  	_ =	shalt  }
0x86: {  	_ =	shalt  }
0x87: {  	_ =	shalt  }
.Lfunc_end0:
.L_simem_size_0:
called_computation_lowered:
.L_overlay_start_0:
0x88: {  	s2 =	sld [smem:$0x3FD9]  }
0x89: {  	s3 =	sld [smem:$0x3FFE];
	_ =	sdelay $0x1  }
0x8a: {  	s1 =	srdreg.scid  }
0x8b: {  	s0 =	sand.u32 $0x1, s1  }
0x8c: {  	s17 =	sshll.u32 s0, $0xA;
	s2 =	sadd.s32 s3, s2  }
0x8d: {  	s2 =	sadd.s32 s2, s17  }
0x8e: {  	[smem:$0x3FC5] =	sst s2  }
0x8f: {  	_ = 	snop  }
0x90: {  	s2 =	sld [smem:$0x3FD0];
	(tm) =	ssettm $0x1  }
0x91: {  	s18 =	sld [smem:$0x3FFB];
	_ =	sdelay $0x3  }
0x92: {  	_ =	strace s18  }
0x93: {  	s3 =	sld [smem:$0x3FFC];
	_ =	sdelay $0x3  }
0x94: {  	_ =	strace s3  }
0x95: {  	s3 =	sld [smem:$0x3FFD];
	_ =	sdelay $0x3  }
0x96: {  	_ =	strace s3  }
0x97: {  	_ =	strace $0x8FFFFFFF  }
0x98: {  	s19 =	sld [smem:$0x3FDB];
	_ =	sdelay $0x1  }
0x99: {  	s4 =	simm.s32 $_scs_section_size  }
0x9a: {  	s5 =	simm.s32 $_size__tile_overlayer_lowered;
	s6 =	simm.s32 $_tile_overlayer_lowered  }
0x9b: {  	s22 =	simm.s32 $0x1BFF;
	s21 =	sshll.u32 s6, $0x1;
	s3 =	sadd.s32 s4, s19  }
0x9c: {  	s7 =	simm.s32 $0x0;
	s20 =	sshll.u32 s5, $0x1;
	s5 =	sadd.s32 s21, s3  }
0x9d: {  	[timem:s7], [sflag:s22] =	dma.local [hbm:s5], s20  }
0x9e: {  	_ =	swait.ge [sflag:s22], s20  }
0x9f: {  	s4 =	ssub.s32 $0x0, s20;
	[sflag:s22] =	ssyncset.done $0x0  }
0xa0: {  	[sflag:s22] =	ssyncadd.s32 s4;
	_ =	sdelay $0x1  }
0xa1: {  	s23 =	simm.s32 $0x1B8B  }
0xa2: {  	_ =	swait.ge [sflag:s23], $0x1  }
0xa3: {  	[sflag:s23] =	ssyncset.done $0x0  }
0xa4: {  	s25 =	simm.s32 $0x1B8E;
	s24 =	sld [smem:$0x3FFE];
	[sflag:s23] =	ssyncadd.s32 $0xFFFFFFFF  }
0xa5: {  	s26 =	simm.s32 $execute0_lowered;
	[smem:$0x3FD2] =	sst s25  }
0xa6: {  	s5 =	sshll.u32 s26, $0x1;
	_ =	strace $0x80000046;
	[dreg:$0x1] =	wrdreg $0xFFFFFFFF  }
0xa7: {  	s28 =	simm.s32 $_size_execute0_lowered;
	s3 =	sadd.s32 s3, s5;
	[dreg:$0x0] =	wrdreg $0x0  }
0xa8: {  	s5 =	sshll.u32 s28, $0x1;
	[dreg:$0x2] =	wrdreg s3  }
0xa9: {  	[dreg:$0x3] =	wrdreg s5  }
0xaa: {  	[dreg:$0x4] =	wrdreg $0xC0  }
0xab: {  	_ =	task [dreg:s7], $0x5FFFF  }
0xac: {  	[dreg:$0x1] =	wrdreg $0xFFFFFFFF  }
0xad: {  	[dreg:$0x0] =	wrdreg $0x60  }
0xae: {  	[dreg:$0x2] =	wrdreg s24  }
0xaf: {  	[dreg:$0x3] =	wrdreg s2  }
0xb0: {  	[dreg:$0x4] =	wrdreg $0x9  }
0xb1: {  	_ =	task.clear_ibuf [dreg:s7], $0x5FFFF;
	_ =	strace $0x90000046  }
0xb2: {  	s29 =	simm.s32 $0x9;
	_ =	strace $0x80000048  }
0xb3: {  	_ =	swait.ge [sflag:s29], $0x1  }
0xb4: {  	[sflag:s29] =	ssyncadd.s32 $0xFFFFFFFF  }
0xb5: {  	_ =	strace $0x90000048  }
0xb6: {  	_ =	sfence  }
0xb7: {  	s30 =	sld [smem:$0x0];
	_ =	sdelay $0x2  }
0xb8: {  	s31 =	sshll.u32 s1, $0xD;
	s1 =	sshrl.u32 s1, $0x2  }
0xb9: {  	s3 =	sand.u32 $0x4000, s31;
	s1 =	sadd.s32 s1, s30  }
0xba: {  	s0 =	sor.u32 s3, s0;
	s1 =	sshll.u32 s1, $0x11  }
0xbb: {  	s0 =	sor.u32 s1, s0  }
0xbc: {  	s0 =	sadd.s32 $0x8F2B, s0  }
0xbd: {  	[sflag:s0] =	ssyncadd.remote.s32 $0x1  }
0xbe: {  	_ =	sfence.sel $0xFFFF  }
0xbf: {  	[dreg:$0x0] =	wrdreg $0xFFFFFFFF;
	(pc) =	sbr.abs _section_cstart, $3  }
0xc0: {  	[dreg:$0x1] =	wrdreg $0xFFFFFFFF  }
0xc1: {  	_ =	task.clear_ibuf [dreg:s7], $0x2FFFF;
	_ =	strace $0x9FFFFFFF  }
0xc2: {  	(tm) =	ssettm $0x7FFFFFFF  }
0xc3: {  	_ =	shalt  }
tec
execute0_lowered:
.L_overlay_start_1:
0x0: {  	(tag) =	ssettag $0x1  }
0x1: {  	s1 =	srdreg.scid;
	s4 =	rddreg [dreg:$0x0]  }
0x2: {  	s0 =	stileid.u32;
	s5 =	rddreg [dreg:$0x1]  }
0x3: {  	s10 =	simm.s32 $0x400;
	s11 =	simm.s32 $0x2640;
	s12 =	simm.s32 $0x0  }
0x4: {  	s3 =	sand.u32 $0x1, s1;
	s31 =	sshll.u32 s0, $0x6;
	s1 =	rddreg [dreg:$0x2]  }
0x5: {  	s2 =	sshll.u32 s3, $0x5;
	s8 =	ssub.s32 $0x2, s3;
	s3 =	sadd.s32 $0x600, s4  }
0x6: {  	s6 =	sor.u32 s2, s31;
	s2 =	simm.s32 $0x0;
	s9 =	sshrl.u32 s8, $0x1  }
0x7: {  	v0 =	vlaneseq.u32;
	s7 =	smul.u32 $0x7, s6;
	[smem:$0x7FF] =	sst s2;
	s8 =	ssub.s32 s8, s9  }
0x8: {  	v0 =	vmul.u32 $0x38, v0;
	s6 =	sshrl.u32 s6, $0x3;
	s9 =	simm.s32 $0x20;
	_ =	strace $0x80000047  }
0x9: {  	s5 =	sadd.s32 s5, s6;
	s6 =	smax.u32 s8, $0x1;
	s7 =	sadd.s32 s7, s4  }
0xa: {  	v1 =	vadd.s32 $0x380, v0;
	s8 =	simm.s32 $0x1F40;
	s4 =	sadd.s32 $0xA00, s7;
	s7 =	simm.s32 $0x1  }
.LBB2_1:
0xb: {  	[tilespmem:s2], [sflag:$0x1] =	stream.linear.gather [hbm4b:s3+s2], $0x1F40, $0x38;
	[tilespmem:$0x5840] =	vst v63  }
0xc: {  	v2 =	vmov s2;
	_ =	swait.ge [sflag:s7], $0x1F40  }
0xd: {  	v2 =	vand.u32 $0x3F, v2;
	[sflag:s7] =	ssyncset.done $0x0  }
0xe: {  	v3 =	vadd.s32 v0, v2;
	[sflag:s7] =	ssyncadd.s32 $0xFFFFE0C0  }
0xf: {  	[tilespmem:s8], [sflag:$0x1] =	stream.linear.gather [hbm4b:s4+s2], $0x700, $0x38;
	[tilespmem:$0x5840] =	vst v63  }
0x10: {  	_ =	swait.ge [sflag:s7], $0x700  }
0x11: {  	[sflag:s7] =	ssyncset.done $0x0  }
0x12: {  	[sflag:s7] =	ssyncadd.s32 $0xFFFFF900  }
0x13: {  	v3 =	vld.idx.msk [tilespmem:v3+s8+$0x0], $0xffff;
	_ =	sdelay $0x4  }
0x14: {  	v3 =	vshll.u32 v3, $0x3;
	_ =	sdelay $0x4  }
0x15: {  	v4 =	vld.idx.msk [tilespmem:v3+s2+$0x0], $0xffff  }
0x16: {  	v5 =	vor.u32 $0x1, v3;
	_ =	sdelay $0x2  }
0x17: {  	s13 =	simm.s32 $0x26C0  }
0x18: {  	[tilespmem:s13+$0xFFFFFF80] =	vst v4  }
0x19: {  	v4 =	vld.idx.msk [tilespmem:v5+s2+$0x0], $0xffff  }
0x1a: {  	v5 =	vor.u32 $0x2, v3;
	_ =	sdelay $0x3  }
0x1b: {  	[tilespmem:s13+$0xFFFFFFA0] =	vst v4  }
0x1c: {  	v4 =	vld.idx.msk [tilespmem:v5+s2+$0x0], $0xffff  }
0x1d: {  	v5 =	vor.u32 $0x3, v3;
	_ =	sdelay $0x3  }
0x1e: {  	[tilespmem:s13+$0xFFFFFFC0] =	vst v4  }
0x1f: {  	v4 =	vld.idx.msk [tilespmem:v5+s2+$0x0], $0xffff  }
0x20: {  	v5 =	vor.u32 $0x4, v3;
	_ =	sdelay $0x3  }
0x21: {  	[tilespmem:s13+$0xFFFFFFE0] =	vst v4  }
0x22: {  	v4 =	vld.idx.msk [tilespmem:v5+s2+$0x0], $0xffff  }
0x23: {  	v5 =	vor.u32 $0x5, v3;
	_ =	sdelay $0x3  }
0x24: {  	[tilespmem:s13+$0x0] =	vst v4  }
0x25: {  	v4 =	vld.idx.msk [tilespmem:v5+s2+$0x0], $0xffff  }
0x26: {  	v5 =	vor.u32 $0x6, v3;
	_ =	sdelay $0x3  }
0x27: {  	[tilespmem:s13+$0x20] =	vst v4  }
0x28: {  	v4 =	vld.idx.msk [tilespmem:v5+s2+$0x0], $0xffff  }
0x29: {  	v3 =	vor.u32 $0x7, v3;
	_ =	sdelay $0x3  }
0x2a: {  	[tilespmem:s13+$0x40] =	vst v4  }
0x2b: {  	v3 =	vld.idx.msk [tilespmem:v3+s2+$0x0], $0xffff  }
0x2c: {  	v2 =	vadd.s32 v1, v2;
	_ =	sdelay $0x3  }
0x2d: {  	[tilespmem:s13+$0x60] =	vst v3  }
0x2e: {  	v2 =	vld.idx.msk [tilespmem:v2+s8+$0x0], $0xffff;
	_ =	sdelay $0x4  }
0x2f: {  	v2 =	vshll.u32 v2, $0x3;
	_ =	sdelay $0x4  }
0x30: {  	v3 =	vld.idx.msk [tilespmem:v2+s2+$0x0], $0xffff  }
0x31: {  	v4 =	vor.u32 $0x1, v2;
	_ =	sdelay $0x3  }
0x32: {  	[tilespmem:s13+$0xFFFFFF90] =	vst v3  }
0x33: {  	v3 =	vld.idx.msk [tilespmem:v4+s2+$0x0], $0xffff  }
0x34: {  	v4 =	vor.u32 $0x2, v2;
	_ =	sdelay $0x3  }
0x35: {  	[tilespmem:s13+$0xFFFFFFB0] =	vst v3  }
0x36: {  	v3 =	vld.idx.msk [tilespmem:v4+s2+$0x0], $0xffff  }
0x37: {  	v4 =	vor.u32 $0x3, v2;
	_ =	sdelay $0x3  }
0x38: {  	[tilespmem:s13+$0xFFFFFFD0] =	vst v3  }
0x39: {  	v3 =	vld.idx.msk [tilespmem:v4+s2+$0x0], $0xffff  }
0x3a: {  	v4 =	vor.u32 $0x4, v2;
	_ =	sdelay $0x3  }
0x3b: {  	[tilespmem:s13+$0xFFFFFFF0] =	vst v3  }
0x3c: {  	v3 =	vld.idx.msk [tilespmem:v4+s2+$0x0], $0xffff  }
0x3d: {  	v4 =	vor.u32 $0x5, v2;
	_ =	sdelay $0x3  }
0x3e: {  	[tilespmem:s13+$0x10] =	vst v3  }
0x3f: {  	v3 =	vld.idx.msk [tilespmem:v4+s2+$0x0], $0xffff  }
0x40: {  	v4 =	vor.u32 $0x6, v2;
	_ =	sdelay $0x3  }
0x41: {  	[tilespmem:s13+$0x30] =	vst v3  }
0x42: {  	v3 =	vld.idx.msk [tilespmem:v4+s2+$0x0], $0xffff  }
0x43: {  	v4 =	vor.u32 $0x7, v2;
	_ =	sdelay $0x2  }
0x44: {  	s14 =	simm.s32 $0x1  }
0x45: {  	v2 =	vmov s14;
	[tilespmem:s13+$0x50] =	vst v3  }
0x46: {  	v2 =	vand.u32 $0x3F, v2;
	v4 =	vld.idx.msk [tilespmem:v4+s2+$0x0], $0xffff  }
0x47: {  	s14 =	simm.s32 $0x2;
	v3 =	vadd.s32 v0, v2  }
.LBB2_2:
0x48: {  	_ =	sdelay $0x1  }
0x49: {  	p0 =	sne.s32 s14, $0x31  }
0x4a: {  	s15 =	smov.u32 s14;
	s14 =	sadd.s32 $0x1, s14;
	[tilespmem:s13+$0x70] =	vst v4;
	s13 =	sadd.s32 $0x100, s13  }
0x4b: {  	v3 =	vld.idx.msk [tilespmem:v3+s8+$0x0], $0xffff;
	_ =	sdelay $0x5  }
0x4c: {  	v3 =	vshll.u32 v3, $0x3;
	_ =	sdelay $0x4  }
0x4d: {  	v4 =	vld.idx.msk [tilespmem:v3+s2+$0x0], $0xffff;
	_ =	sdelay $0x1  }
0x4e: {  	v5 =	vor.u32 $0x1, v3;
	_ =	sdelay $0x3  }
0x4f: {  	[tilespmem:s13+$0xFFFFFF80] =	vst v4  }
0x50: {  	v4 =	vld.idx.msk [tilespmem:v5+s2+$0x0], $0xffff;
	_ =	sdelay $0x1  }
0x51: {  	v5 =	vor.u32 $0x2, v3;
	_ =	sdelay $0x3  }
0x52: {  	[tilespmem:s13+$0xFFFFFFA0] =	vst v4  }
0x53: {  	v4 =	vld.idx.msk [tilespmem:v5+s2+$0x0], $0xffff;
	_ =	sdelay $0x1  }
0x54: {  	v5 =	vor.u32 $0x3, v3;
	_ =	sdelay $0x3  }
0x55: {  	[tilespmem:s13+$0xFFFFFFC0] =	vst v4  }
0x56: {  	v4 =	vld.idx.msk [tilespmem:v5+s2+$0x0], $0xffff;
	_ =	sdelay $0x1  }
0x57: {  	v5 =	vor.u32 $0x4, v3;
	_ =	sdelay $0x3  }
0x58: {  	[tilespmem:s13+$0xFFFFFFE0] =	vst v4  }
0x59: {  	v4 =	vld.idx.msk [tilespmem:v5+s2+$0x0], $0xffff;
	_ =	sdelay $0x1  }
0x5a: {  	v5 =	vor.u32 $0x5, v3;
	_ =	sdelay $0x3  }
0x5b: {  	[tilespmem:s13+$0x0] =	vst v4  }
0x5c: {  	v4 =	vld.idx.msk [tilespmem:v5+s2+$0x0], $0xffff;
	_ =	sdelay $0x1  }
0x5d: {  	v5 =	vor.u32 $0x6, v3;
	_ =	sdelay $0x3  }
0x5e: {  	[tilespmem:s13+$0x20] =	vst v4  }
0x5f: {  	v4 =	vld.idx.msk [tilespmem:v5+s2+$0x0], $0xffff;
	_ =	sdelay $0x1  }
0x60: {  	v3 =	vor.u32 $0x7, v3;
	_ =	sdelay $0x3  }
0x61: {  	[tilespmem:s13+$0x40] =	vst v4  }
0x62: {  	v3 =	vld.idx.msk [tilespmem:v3+s2+$0x0], $0xffff;
	_ =	sdelay $0x1  }
0x63: {  	v2 =	vadd.s32 v1, v2;
	_ =	sdelay $0x3  }
0x64: {  	[tilespmem:s13+$0x60] =	vst v3  }
0x65: {  	v2 =	vld.idx.msk [tilespmem:v2+s8+$0x0], $0xffff;
	_ =	sdelay $0x5  }
0x66: {  	v2 =	vshll.u32 v2, $0x3;
	_ =	sdelay $0x4  }
0x67: {  	v3 =	vld.idx.msk [tilespmem:v2+s2+$0x0], $0xffff;
	_ =	sdelay $0x1  }
0x68: {  	v4 =	vor.u32 $0x1, v2;
	_ =	sdelay $0x3  }
0x69: {  	[tilespmem:s13+$0xFFFFFF90] =	vst v3  }
0x6a: {  	v3 =	vld.idx.msk [tilespmem:v4+s2+$0x0], $0xffff;
	_ =	sdelay $0x1  }
0x6b: {  	v4 =	vor.u32 $0x2, v2;
	_ =	sdelay $0x3  }
0x6c: {  	[tilespmem:s13+$0xFFFFFFB0] =	vst v3  }
0x6d: {  	v3 =	vld.idx.msk [tilespmem:v4+s2+$0x0], $0xffff;
	_ =	sdelay $0x1  }
0x6e: {  	v4 =	vor.u32 $0x3, v2;
	_ =	sdelay $0x3  }
0x6f: {  	[tilespmem:s13+$0xFFFFFFD0] =	vst v3  }
0x70: {  	v3 =	vld.idx.msk [tilespmem:v4+s2+$0x0], $0xffff;
	_ =	sdelay $0x1  }
0x71: {  	v4 =	vor.u32 $0x4, v2;
	_ =	sdelay $0x3  }
0x72: {  	[tilespmem:s13+$0xFFFFFFF0] =	vst v3  }
0x73: {  	v3 =	vld.idx.msk [tilespmem:v4+s2+$0x0], $0xffff;
	_ =	sdelay $0x1  }
0x74: {  	v4 =	vor.u32 $0x5, v2;
	_ =	sdelay $0x3  }
0x75: {  	[tilespmem:s13+$0x10] =	vst v3  }
0x76: {  	v3 =	vld.idx.msk [tilespmem:v4+s2+$0x0], $0xffff;
	_ =	sdelay $0x1  }
0x77: {  	v4 =	vor.u32 $0x6, v2;
	_ =	sdelay $0x3  }
0x78: {  	[tilespmem:s13+$0x30] =	vst v3  }
0x79: {  	v3 =	vld.idx.msk [tilespmem:v4+s2+$0x0], $0xffff;
	_ =	sdelay $0x1  }
0x7a: {  	v2 =	vor.u32 $0x7, v2;
	_ =	sdelay $0x2  }
.Ltmp0:
0x7b: {  	(pc) =	sbr.rel @p0 .LBB2_2-.Ltmp0, $4  }
0x7c: {  	[tilespmem:s13+$0x50] =	vst v3  }
0x7d: {  	v3 =	vmov s15;
	v4 =	vld.idx.msk [tilespmem:v2+s2+$0x0], $0xffff  }
0x7e: {  	v2 =	vand.u32 $0x3F, v3  }
0x7f: {  	v3 =	vadd.s32 v0, v2  }
0x80: {  	_ =	sdelay $0x2  }
0x81: {  	[tilespmem:s13+$0x70] =	vst v4  }
0x82: {  	v3 =	vld.idx.msk [tilespmem:v3+s8+$0x0], $0xffff;
	_ =	sdelay $0x4  }
0x83: {  	v3 =	vshll.u32 v3, $0x3;
	_ =	sdelay $0x4  }
0x84: {  	v4 =	vld.idx.msk [tilespmem:v3+s2+$0x0], $0xffff  }
0x85: {  	v5 =	vor.u32 $0x1, v3;
	_ =	sdelay $0x2  }
0x86: {  	s31 =	sadd.s32 $0x100, s13  }
0x87: {  	[tilespmem:s31+$0xFFFFFF80] =	vst v4  }
0x88: {  	v4 =	vld.idx.msk [tilespmem:v5+s2+$0x0], $0xffff  }
0x89: {  	v53 =	vor.u32 $0x2, v3;
	_ =	sdelay $0x3  }
0x8a: {  	[tilespmem:s31+$0xFFFFFFA0] =	vst v4  }
0x8b: {  	v4 =	vld.idx.msk [tilespmem:v53+s2+$0x0], $0xffff  }
0x8c: {  	v54 =	vor.u32 $0x3, v3;
	_ =	sdelay $0x3  }
0x8d: {  	[tilespmem:s31+$0xFFFFFFC0] =	vst v4  }
0x8e: {  	v4 =	vld.idx.msk [tilespmem:v54+s2+$0x0], $0xffff  }
0x8f: {  	v55 =	vor.u32 $0x4, v3;
	_ =	sdelay $0x3  }
0x90: {  	[tilespmem:s31+$0xFFFFFFE0] =	vst v4  }
0x91: {  	v4 =	vld.idx.msk [tilespmem:v55+s2+$0x0], $0xffff  }
0x92: {  	v56 =	vor.u32 $0x5, v3;
	_ =	sdelay $0x3  }
0x93: {  	[tilespmem:s31+$0x0] =	vst v4  }
0x94: {  	v4 =	vld.idx.msk [tilespmem:v56+s2+$0x0], $0xffff  }
0x95: {  	v57 =	vor.u32 $0x6, v3;
	_ =	sdelay $0x3  }
0x96: {  	[tilespmem:s31+$0x20] =	vst v4  }
0x97: {  	v4 =	vld.idx.msk [tilespmem:v57+s2+$0x0], $0xffff  }
0x98: {  	v3 =	vor.u32 $0x7, v3;
	_ =	sdelay $0x3  }
0x99: {  	[tilespmem:s31+$0x40] =	vst v4  }
0x9a: {  	v3 =	vld.idx.msk [tilespmem:v3+s2+$0x0], $0xffff  }
0x9b: {  	v2 =	vadd.s32 v1, v2;
	_ =	sdelay $0x3  }
0x9c: {  	[tilespmem:s31+$0x60] =	vst v3  }
0x9d: {  	v2 =	vld.idx.msk [tilespmem:v2+s8+$0x0], $0xffff;
	_ =	sdelay $0x4  }
0x9e: {  	v2 =	vshll.u32 v2, $0x3;
	_ =	sdelay $0x4  }
0x9f: {  	v3 =	vld.idx.msk [tilespmem:v2+s2+$0x0], $0xffff  }
0xa0: {  	v58 =	vor.u32 $0x1, v2;
	_ =	sdelay $0x3  }
0xa1: {  	[tilespmem:s31+$0xFFFFFF90] =	vst v3  }
0xa2: {  	v3 =	vld.idx.msk [tilespmem:v58+s2+$0x0], $0xffff  }
0xa3: {  	v59 =	vor.u32 $0x2, v2;
	_ =	sdelay $0x3  }
0xa4: {  	[tilespmem:s31+$0xFFFFFFB0] =	vst v3  }
0xa5: {  	v3 =	vld.idx.msk [tilespmem:v59+s2+$0x0], $0xffff  }
0xa6: {  	v60 =	vor.u32 $0x3, v2;
	_ =	sdelay $0x3  }
0xa7: {  	[tilespmem:s31+$0xFFFFFFD0] =	vst v3  }
0xa8: {  	v3 =	vld.idx.msk [tilespmem:v60+s2+$0x0], $0xffff  }
0xa9: {  	v61 =	vor.u32 $0x4, v2;
	_ =	sdelay $0x3  }
0xaa: {  	[tilespmem:s31+$0xFFFFFFF0] =	vst v3  }
0xab: {  	v3 =	vld.idx.msk [tilespmem:v61+s2+$0x0], $0xffff  }
0xac: {  	v62 =	vor.u32 $0x5, v2;
	_ =	sdelay $0x3  }
0xad: {  	[tilespmem:s31+$0x10] =	vst v3  }
0xae: {  	v3 =	vld.idx.msk [tilespmem:v62+s2+$0x0], $0xffff  }
0xaf: {  	v63 =	vor.u32 $0x6, v2;
	_ =	sdelay $0x3  }
0xb0: {  	[tilespmem:s31+$0x30] =	vst v3  }
0xb1: {  	v3 =	vld.idx.msk [tilespmem:v63+s2+$0x0], $0xffff  }
0xb2: {  	v2 =	vor.u32 $0x7, v2;
	_ =	sdelay $0x3  }
0xb3: {  	[tilespmem:s31+$0x50] =	vst v3  }
0xb4: {  	v2 =	vld.idx.msk [tilespmem:v2+s2+$0x0], $0xffff;
	_ =	sdelay $0x2  }
0xb5: {  	s12 =	sadd.s32 $0x1, s12  }
0xb6: {  	p0 =	sne.s32 s12, s6  }
.Ltmp1:
0xb7: {  	[tilespmem:s31+$0x70] =	vst v2;
	(pc) =	sbr.rel @p0 .LBB2_1-.Ltmp1, $4  }
0xb8: {  	[hbm4b:s5+s9] =	stream.strided.scatter [tilespmem:s11], [sflag:$0x1], $0x3200, s10, s9, $0x38;
	[tilespmem:$0x5840] =	vst v63  }
0xb9: {  	_ =	swait.ge [sflag:s7], $0x3200  }
0xba: {  	[sflag:s7] =	ssyncset.done $0x0  }
0xbb: {  	[sflag:s7] =	ssyncadd.s32 $0xFFFFCE00  }
0xbc: {  	_ =	sfence.sel $0x180000  }
0xbd: {  	[bflag:$0x0] =	sbarrier.arrive $0xFFFF  }
0xbe: {  	p0 =	sne.s32 s0, $0x0;
	_ =	strace $0x90000047  }
0xbf: {  	s0 =	sadd.s32 @!p0 $0x100000, s1;
	[bflag:$0x2] =	sbarrier.arrive $0xFFFF  }
0xc0: {  	[sflag:s0] =	ssyncadd.tile.s32 @!p0 $0x1;
	_ =	shalt  }
.Lfunc_end2:
_tile_overlayer_lowered:
.L_overlay_start_2:
0xc1: {  	(tag) =	ssettag $0x2  }
0xc2: {  	s0 =	rddreg [dreg:$0x0];
	s2 =	stileid.u32  }
0xc3: {  	s1 =	rddreg [dreg:$0x1];
	p0 =	sne.s32 s2, $0x0  }
0xc4: {  	s3 =	rddreg [dreg:$0x2];
	[bflag:$0x3] =	sbarrier.arrive $0xFFFF;
	s2 =	simm.s32 @!p0 $0x1C01  }
0xc5: {  	[timem:s3], [sflag:s2] =	dma.local @!p0 [hbm:s0], s1  }
0xc6: {  	s0 =	simm.s32 @!p0 $0x1  }
0xc7: {  	_ =	swait.ge @!p0 [sflag:s0], s1  }
0xc8: {  	s1 =	ssub.s32 @!p0 $0x0, s1;
	[sflag:s0] =	ssyncset.done @!p0 $0x0  }
0xc9: {  	[sflag:s0] =	ssyncadd.s32 @!p0 s1  }
0xca: {  	[bflag:$0x3] =	sbarrier.arrive $0xFFFF  }
0xcb: {  	_ =	shalt  }

</sc_bundles>
